<compile_context>
chip_gen: v7x
topology: tpu7x:2x2x1
jax: 0.10.2.dev20260603
libtpu: 0.0.44.dev20260713+nightly
codegen_flags: <defaults>
</compile_context>

<pallas_src>
import functools

import jax
import jax.numpy as jnp
from jax import lax
from jax.experimental import pallas as pl
from jax.experimental.pallas import tpu as pltpu
from jax.experimental.pallas import tpu_sc as plsc

N_TOK = 32 * 576
DIM = 64
K = 1024
BLK = 512
N_BLKS = N_TOK // BLK
LOSS_SCALE = 1.25 / (N_TOK * DIM)

NW = 32
B_PER_W = N_TOK // NW
CHUNK = 96
N_CHUNKS = B_PER_W // CHUNK


def _vq_idx_body(x_ref, tt_ref, idx_ref, loss_ref, bias_ref):
    i = pl.program_id(0)
    tt = tt_ref[...]

    @pl.when(i == 0)
    def _():
        bias_ref[...] = -0.5 * jnp.sum(tt * tt, axis=0, keepdims=True)
        loss_ref[0, 0] = 0.0

    xb = x_ref[...]
    dots = jax.lax.dot_general(
        xb, tt, (((1,), (0,)), ((), ())),
        preferred_element_type=jnp.float32)
    score = dots + bias_ref[...]
    max_val = jnp.max(score, axis=1, keepdims=True)
    kio = jax.lax.broadcasted_iota(jnp.int32, (BLK, K), 1).astype(jnp.float32)
    first = jnp.where(score == max_val, kio, jnp.float32(K))
    idx_f = jnp.min(first, axis=1, keepdims=True)
    idx_ref[...] = idx_f.astype(jnp.int32)

    x_sq = jnp.sum(xb * xb)
    loss_ref[0, 0] += (x_sq - 2.0 * jnp.sum(max_val)) * LOSS_SCALE


_SC_MESH = plsc.VectorSubcoreMesh(core_axis_name="c", subcore_axis_name="s")


@functools.partial(
    pl.kernel,
    mesh=_SC_MESH,
    out_type=jax.ShapeDtypeStruct((N_TOK, 2 * DIM), jnp.float32),
    scratch_types=(
        [pltpu.VMEM((CHUNK,), jnp.int32) for _ in range(N_CHUNKS)]
        + [pltpu.VMEM((B_PER_W, 2 * DIM), jnp.float32), pltpu.SemaphoreType.DMA]
    ),
)
def _sc_gather(table_hbm, idx_hbm, out_hbm, *scratch):
    idx_vs, rows_v, sem = scratch[:N_CHUNKS], scratch[N_CHUNKS], scratch[-1]
    wid = lax.axis_index("s") * 2 + lax.axis_index("c")
    base = wid * B_PER_W
    for j in range(N_CHUNKS):
        pltpu.sync_copy(idx_hbm.at[pl.ds(base + j * CHUNK, CHUNK)], idx_vs[j])
    copies = [
        pltpu.make_async_copy(
            table_hbm.at[idx_vs[j]],
            rows_v.at[pl.ds(j * CHUNK, CHUNK)],
            sem,
        )
        for j in range(N_CHUNKS)
    ]
    for c in copies:
        c.start()
    for c in copies:
        c.wait()
    pltpu.sync_copy(rows_v, out_hbm.at[pl.ds(base, B_PER_W)])


@jax.jit
def kernel(x, table):
    flat_x = x.reshape(N_TOK, DIM)
    tt = table.T
    idx, loss = pl.pallas_call(
        _vq_idx_body,
        grid=(N_BLKS,),
        in_specs=[
            pl.BlockSpec((BLK, DIM), lambda i: (i, 0)),
            pl.BlockSpec((DIM, K), lambda i: (0, 0)),
        ],
        out_specs=[
            pl.BlockSpec((BLK, 1), lambda i: (i, 0)),
            pl.BlockSpec(memory_space=pltpu.SMEM),
        ],
        out_shape=[
            jax.ShapeDtypeStruct((N_TOK, 1), jnp.int32),
            jax.ShapeDtypeStruct((1, 1), jnp.float32),
        ],
        scratch_shapes=[pltpu.VMEM((1, K), jnp.float32)],
    )(flat_x, tt)
    tab_pad = jnp.pad(table, ((0, 0), (0, DIM)))
    q = _sc_gather(tab_pad, idx.reshape(N_TOK))[:, :DIM]
    return q.reshape(x.shape), loss[0, 0], idx

# --- scband reference (transcript-rebuilt; emitter-appended) ---
"""Pipeline reference for scband-vector-quantizer-27487790694441 (READ-ONLY COPY).

The authoritative reference and input builder live on the scoring server;
editing this copy changes nothing except your own understanding.
"""

import jax, jax.numpy as jnp
import numpy as np

NUM_EMBEDDINGS = 1024
EMBEDDING_DIM = 64
COMMITMENT_COST = 0.25

def setup_inputs(seed: int = 0) -> dict:
    key = jax.random.key(seed)
    k1, k2 = jax.random.split(key)
    x = jax.random.normal(k1, (32, 576, 64), dtype=jnp.float32)
    # nn.Embedding default init: N(0, 1)
    table = jax.random.normal(k2, (NUM_EMBEDDINGS, EMBEDDING_DIM), dtype=jnp.float32)
    return {"x": x, "table": table}

def reference(x, table):
    flat_x = x.reshape(-1, EMBEDDING_DIM)
    # torch.cdist with p=2: pairwise euclidean distances
    x_sq = jnp.sum(flat_x * flat_x, axis=1, keepdims=True)            # [N, 1]
    e_sq = jnp.sum(table * table, axis=1)[None, :]                    # [1, K]
    sq = jnp.clip(x_sq + e_sq - 2.0 * (flat_x @ table.T), 0.0, None)  # [N, K]
    distances = jnp.sqrt(sq)
    encoding_indices = jnp.argmin(distances, axis=1)[:, None]         # [N, 1]
    quantized = jnp.take(table, encoding_indices[:, 0], axis=0).reshape(x.shape)
    e_latent_loss = jnp.mean((jax.lax.stop_gradient(quantized) - x) ** 2)
    q_latent_loss = jnp.mean((quantized - jax.lax.stop_gradient(x)) ** 2)
    loss = q_latent_loss + COMMITMENT_COST * e_latent_loss
    quantized_st = x + jax.lax.stop_gradient(quantized - x)
    return (quantized_st, loss, encoding_indices)

if __name__ == "__main__":
    import jax
    _d = setup_inputs()
    print(jax.jit(kernel)(*tuple(_d.values())))

</pallas_src>

<mosaic_0001>
#map = affine_map<(d0, d1) -> (0, 0)>
#map1 = affine_map<(d0, d1) -> (0)>
module attributes {stable_mosaic.version = 14 : i64} {
  func.func @_sc_gather(%arg0: i32, %arg1: i32, %arg2: memref<1024x128xf32, #tpu.memory_space<hbm>>, %arg3: memref<18432xi32, #tpu.memory_space<hbm>>, %arg4: memref<18432x128xf32, #tpu.memory_space<hbm>>, %arg5: memref<96xi32, #tpu.memory_space<vmem>>, %arg6: memref<96xi32, #tpu.memory_space<vmem>>, %arg7: memref<96xi32, #tpu.memory_space<vmem>>, %arg8: memref<96xi32, #tpu.memory_space<vmem>>, %arg9: memref<96xi32, #tpu.memory_space<vmem>>, %arg10: memref<96xi32, #tpu.memory_space<vmem>>, %arg11: memref<576x128xf32, #tpu.memory_space<vmem>>, %arg12: memref<!tpu.dma_semaphore, #tpu.memory_space<semaphore_mem>>) attributes {dimension_semantics = [#tpu.dimension_semantics<core_parallel>, #tpu.dimension_semantics<subcore_parallel>], iteration_bounds = array<i64: 2, 16>, scalar_prefetch = 0 : i64, scratch_operands = 8 : i64, tpu.core_type = #tpu.core_type<sc_vector_subcore>, window_params = [{transform_indices = #map}, {transform_indices = #map1}, {transform_indices = #map}]} {
    %mul3A = arith.constant 2 : i32
    %mul3A_0 = arith.muli %arg1, %mul3A : i32
    %add3A = arith.addi %mul3A_0, %arg0 : i32
    %mul3A_1 = arith.constant 576 : i32
    %mul3A_2 = arith.muli %add3A, %mul3A_1 : i32
    %add3A_3 = arith.constant 0 : i32
    %add3A_4 = arith.addi %mul3A_2, %add3A_3 : i32
    "tpu.region"() ({
      %run_scoped3A = tpu.sem_alloc : memref<!tpu.dma_semaphore, #tpu.memory_space<semaphore_mem>>
      %dma_start3A_85 = tpu.memref_slice %arg3[%add3A_4] : memref<18432xi32, #tpu.memory_space<hbm>> -> memref<96xi32, #tpu.memory_space<hbm>>
      %dma_start3A_86 = tpu.memref_slice %arg3[%add3A_4] : memref<18432xi32, #tpu.memory_space<hbm>> -> memref<96xi32, #tpu.memory_space<hbm>>
      tpu.enqueue_dma source(%dma_start3A_86 : memref<96xi32, #tpu.memory_space<hbm>>) target(%arg5 : memref<96xi32, #tpu.memory_space<vmem>>) target_semaphore(%run_scoped3A : memref<!tpu.dma_semaphore, #tpu.memory_space<semaphore_mem>>)
      %dma_wait3A_87 = tpu.memref_slice %arg3[%add3A_4] : memref<18432xi32, #tpu.memory_space<hbm>> -> memref<96xi32, #tpu.memory_space<hbm>>
      %dma_wait3A_88 = tpu.memref_slice %arg3[%add3A_4] : memref<18432xi32, #tpu.memory_space<hbm>> -> memref<96xi32, #tpu.memory_space<hbm>>
      tpu.wait_dma2 semaphore(%run_scoped3A : memref<!tpu.dma_semaphore, #tpu.memory_space<semaphore_mem>>) src(%dma_wait3A_88 : memref<96xi32, #tpu.memory_space<hbm>>) dst(%arg5 : memref<96xi32, #tpu.memory_space<vmem>>)
      tpu.yield
    }) : () -> ()
    %add3A_5 = arith.constant 96 : i32
    %add3A_6 = arith.addi %mul3A_2, %add3A_5 : i32
    "tpu.region"() ({
      %run_scoped3A = tpu.sem_alloc : memref<!tpu.dma_semaphore, #tpu.memory_space<semaphore_mem>>
      %dma_start3A_85 = tpu.memref_slice %arg3[%add3A_6] : memref<18432xi32, #tpu.memory_space<hbm>> -> memref<96xi32, #tpu.memory_space<hbm>>
      %dma_start3A_86 = tpu.memref_slice %arg3[%add3A_6] : memref<18432xi32, #tpu.memory_space<hbm>> -> memref<96xi32, #tpu.memory_space<hbm>>
      tpu.enqueue_dma source(%dma_start3A_86 : memref<96xi32, #tpu.memory_space<hbm>>) target(%arg6 : memref<96xi32, #tpu.memory_space<vmem>>) target_semaphore(%run_scoped3A : memref<!tpu.dma_semaphore, #tpu.memory_space<semaphore_mem>>)
      %dma_wait3A_87 = tpu.memref_slice %arg3[%add3A_6] : memref<18432xi32, #tpu.memory_space<hbm>> -> memref<96xi32, #tpu.memory_space<hbm>>
      %dma_wait3A_88 = tpu.memref_slice %arg3[%add3A_6] : memref<18432xi32, #tpu.memory_space<hbm>> -> memref<96xi32, #tpu.memory_space<hbm>>
      tpu.wait_dma2 semaphore(%run_scoped3A : memref<!tpu.dma_semaphore, #tpu.memory_space<semaphore_mem>>) src(%dma_wait3A_88 : memref<96xi32, #tpu.memory_space<hbm>>) dst(%arg6 : memref<96xi32, #tpu.memory_space<vmem>>)
      tpu.yield
    }) : () -> ()
    %add3A_7 = arith.constant 192 : i32
    %add3A_8 = arith.addi %mul3A_2, %add3A_7 : i32
    "tpu.region"() ({
      %run_scoped3A = tpu.sem_alloc : memref<!tpu.dma_semaphore, #tpu.memory_space<semaphore_mem>>
      %dma_start3A_85 = tpu.memref_slice %arg3[%add3A_8] : memref<18432xi32, #tpu.memory_space<hbm>> -> memref<96xi32, #tpu.memory_space<hbm>>
      %dma_start3A_86 = tpu.memref_slice %arg3[%add3A_8] : memref<18432xi32, #tpu.memory_space<hbm>> -> memref<96xi32, #tpu.memory_space<hbm>>
      tpu.enqueue_dma source(%dma_start3A_86 : memref<96xi32, #tpu.memory_space<hbm>>) target(%arg7 : memref<96xi32, #tpu.memory_space<vmem>>) target_semaphore(%run_scoped3A : memref<!tpu.dma_semaphore, #tpu.memory_space<semaphore_mem>>)
      %dma_wait3A_87 = tpu.memref_slice %arg3[%add3A_8] : memref<18432xi32, #tpu.memory_space<hbm>> -> memref<96xi32, #tpu.memory_space<hbm>>
      %dma_wait3A_88 = tpu.memref_slice %arg3[%add3A_8] : memref<18432xi32, #tpu.memory_space<hbm>> -> memref<96xi32, #tpu.memory_space<hbm>>
      tpu.wait_dma2 semaphore(%run_scoped3A : memref<!tpu.dma_semaphore, #tpu.memory_space<semaphore_mem>>) src(%dma_wait3A_88 : memref<96xi32, #tpu.memory_space<hbm>>) dst(%arg7 : memref<96xi32, #tpu.memory_space<vmem>>)
      tpu.yield
    }) : () -> ()
    %add3A_9 = arith.constant 288 : i32
    %add3A_10 = arith.addi %mul3A_2, %add3A_9 : i32
    "tpu.region"() ({
      %run_scoped3A = tpu.sem_alloc : memref<!tpu.dma_semaphore, #tpu.memory_space<semaphore_mem>>
      %dma_start3A_85 = tpu.memref_slice %arg3[%add3A_10] : memref<18432xi32, #tpu.memory_space<hbm>> -> memref<96xi32, #tpu.memory_space<hbm>>
      %dma_start3A_86 = tpu.memref_slice %arg3[%add3A_10] : memref<18432xi32, #tpu.memory_space<hbm>> -> memref<96xi32, #tpu.memory_space<hbm>>
      tpu.enqueue_dma source(%dma_start3A_86 : memref<96xi32, #tpu.memory_space<hbm>>) target(%arg8 : memref<96xi32, #tpu.memory_space<vmem>>) target_semaphore(%run_scoped3A : memref<!tpu.dma_semaphore, #tpu.memory_space<semaphore_mem>>)
      %dma_wait3A_87 = tpu.memref_slice %arg3[%add3A_10] : memref<18432xi32, #tpu.memory_space<hbm>> -> memref<96xi32, #tpu.memory_space<hbm>>
      %dma_wait3A_88 = tpu.memref_slice %arg3[%add3A_10] : memref<18432xi32, #tpu.memory_space<hbm>> -> memref<96xi32, #tpu.memory_space<hbm>>
      tpu.wait_dma2 semaphore(%run_scoped3A : memref<!tpu.dma_semaphore, #tpu.memory_space<semaphore_mem>>) src(%dma_wait3A_88 : memref<96xi32, #tpu.memory_space<hbm>>) dst(%arg8 : memref<96xi32, #tpu.memory_space<vmem>>)
      tpu.yield
    }) : () -> ()
    %add3A_11 = arith.constant 384 : i32
    %add3A_12 = arith.addi %mul3A_2, %add3A_11 : i32
    "tpu.region"() ({
      %run_scoped3A = tpu.sem_alloc : memref<!tpu.dma_semaphore, #tpu.memory_space<semaphore_mem>>
      %dma_start3A_85 = tpu.memref_slice %arg3[%add3A_12] : memref<18432xi32, #tpu.memory_space<hbm>> -> memref<96xi32, #tpu.memory_space<hbm>>
      %dma_start3A_86 = tpu.memref_slice %arg3[%add3A_12] : memref<18432xi32, #tpu.memory_space<hbm>> -> memref<96xi32, #tpu.memory_space<hbm>>
      tpu.enqueue_dma source(%dma_start3A_86 : memref<96xi32, #tpu.memory_space<hbm>>) target(%arg9 : memref<96xi32, #tpu.memory_space<vmem>>) target_semaphore(%run_scoped3A : memref<!tpu.dma_semaphore, #tpu.memory_space<semaphore_mem>>)
      %dma_wait3A_87 = tpu.memref_slice %arg3[%add3A_12] : memref<18432xi32, #tpu.memory_space<hbm>> -> memref<96xi32, #tpu.memory_space<hbm>>
      %dma_wait3A_88 = tpu.memref_slice %arg3[%add3A_12] : memref<18432xi32, #tpu.memory_space<hbm>> -> memref<96xi32, #tpu.memory_space<hbm>>
      tpu.wait_dma2 semaphore(%run_scoped3A : memref<!tpu.dma_semaphore, #tpu.memory_space<semaphore_mem>>) src(%dma_wait3A_88 : memref<96xi32, #tpu.memory_space<hbm>>) dst(%arg9 : memref<96xi32, #tpu.memory_space<vmem>>)
      tpu.yield
    }) : () -> ()
    %add3A_13 = arith.constant 480 : i32
    %add3A_14 = arith.addi %mul3A_2, %add3A_13 : i32
    "tpu.region"() ({
      %run_scoped3A = tpu.sem_alloc : memref<!tpu.dma_semaphore, #tpu.memory_space<semaphore_mem>>
      %dma_start3A_85 = tpu.memref_slice %arg3[%add3A_14] : memref<18432xi32, #tpu.memory_space<hbm>> -> memref<96xi32, #tpu.memory_space<hbm>>
      %dma_start3A_86 = tpu.memref_slice %arg3[%add3A_14] : memref<18432xi32, #tpu.memory_space<hbm>> -> memref<96xi32, #tpu.memory_space<hbm>>
      tpu.enqueue_dma source(%dma_start3A_86 : memref<96xi32, #tpu.memory_space<hbm>>) target(%arg10 : memref<96xi32, #tpu.memory_space<vmem>>) target_semaphore(%run_scoped3A : memref<!tpu.dma_semaphore, #tpu.memory_space<semaphore_mem>>)
      %dma_wait3A_87 = tpu.memref_slice %arg3[%add3A_14] : memref<18432xi32, #tpu.memory_space<hbm>> -> memref<96xi32, #tpu.memory_space<hbm>>
      %dma_wait3A_88 = tpu.memref_slice %arg3[%add3A_14] : memref<18432xi32, #tpu.memory_space<hbm>> -> memref<96xi32, #tpu.memory_space<hbm>>
      tpu.wait_dma2 semaphore(%run_scoped3A : memref<!tpu.dma_semaphore, #tpu.memory_space<semaphore_mem>>) src(%dma_wait3A_88 : memref<96xi32, #tpu.memory_space<hbm>>) dst(%arg10 : memref<96xi32, #tpu.memory_space<vmem>>)
      tpu.yield
    }) : () -> ()
    %dma_start3A = arith.constant 0 : i32
    %dma_start3A_15 = arith.constant 0 : i32
    %dma_start3A_16 = tpu.memref_slice %arg11[%dma_start3A, %dma_start3A_15] : memref<576x128xf32, #tpu.memory_space<vmem>> -> memref<96x128xf32, #tpu.memory_space<vmem>>
    %dma_start3A_17 = arith.constant 0 : i32
    %dma_start3A_18 = arith.constant 0 : i32
    %dma_start3A_19 = tpu.memref_slice %arg2[%dma_start3A_17, %dma_start3A_18] : memref<1024x128xf32, #tpu.memory_space<hbm>> -> memref<1024x128xf32, #tpu.memory_space<hbm>>
    tpu.enqueue_indirect_dma source(%dma_start3A_19 : memref<1024x128xf32, #tpu.memory_space<hbm>>) target(%dma_start3A_16 : memref<96x128xf32, #tpu.memory_space<vmem>>) offsets(%arg5 : memref<96xi32, #tpu.memory_space<vmem>>) semaphore(%arg12 : memref<!tpu.dma_semaphore, #tpu.memory_space<semaphore_mem>>)
    %dma_start3A_20 = arith.constant 96 : i32
    %dma_start3A_21 = arith.constant 0 : i32
    %dma_start3A_22 = tpu.memref_slice %arg11[%dma_start3A_20, %dma_start3A_21] : memref<576x128xf32, #tpu.memory_space<vmem>> -> memref<96x128xf32, #tpu.memory_space<vmem>>
    %dma_start3A_23 = arith.constant 0 : i32
    %dma_start3A_24 = arith.constant 0 : i32
    %dma_start3A_25 = tpu.memref_slice %arg2[%dma_start3A_23, %dma_start3A_24] : memref<1024x128xf32, #tpu.memory_space<hbm>> -> memref<1024x128xf32, #tpu.memory_space<hbm>>
    tpu.enqueue_indirect_dma source(%dma_start3A_25 : memref<1024x128xf32, #tpu.memory_space<hbm>>) target(%dma_start3A_22 : memref<96x128xf32, #tpu.memory_space<vmem>>) offsets(%arg6 : memref<96xi32, #tpu.memory_space<vmem>>) semaphore(%arg12 : memref<!tpu.dma_semaphore, #tpu.memory_space<semaphore_mem>>)
    %dma_start3A_26 = arith.constant 192 : i32
    %dma_start3A_27 = arith.constant 0 : i32
    %dma_start3A_28 = tpu.memref_slice %arg11[%dma_start3A_26, %dma_start3A_27] : memref<576x128xf32, #tpu.memory_space<vmem>> -> memref<96x128xf32, #tpu.memory_space<vmem>>
    %dma_start3A_29 = arith.constant 0 : i32
    %dma_start3A_30 = arith.constant 0 : i32
    %dma_start3A_31 = tpu.memref_slice %arg2[%dma_start3A_29, %dma_start3A_30] : memref<1024x128xf32, #tpu.memory_space<hbm>> -> memref<1024x128xf32, #tpu.memory_space<hbm>>
    tpu.enqueue_indirect_dma source(%dma_start3A_31 : memref<1024x128xf32, #tpu.memory_space<hbm>>) target(%dma_start3A_28 : memref<96x128xf32, #tpu.memory_space<vmem>>) offsets(%arg7 : memref<96xi32, #tpu.memory_space<vmem>>) semaphore(%arg12 : memref<!tpu.dma_semaphore, #tpu.memory_space<semaphore_mem>>)
    %dma_start3A_32 = arith.constant 288 : i32
    %dma_start3A_33 = arith.constant 0 : i32
    %dma_start3A_34 = tpu.memref_slice %arg11[%dma_start3A_32, %dma_start3A_33] : memref<576x128xf32, #tpu.memory_space<vmem>> -> memref<96x128xf32, #tpu.memory_space<vmem>>
    %dma_start3A_35 = arith.constant 0 : i32
    %dma_start3A_36 = arith.constant 0 : i32
    %dma_start3A_37 = tpu.memref_slice %arg2[%dma_start3A_35, %dma_start3A_36] : memref<1024x128xf32, #tpu.memory_space<hbm>> -> memref<1024x128xf32, #tpu.memory_space<hbm>>
    tpu.enqueue_indirect_dma source(%dma_start3A_37 : memref<1024x128xf32, #tpu.memory_space<hbm>>) target(%dma_start3A_34 : memref<96x128xf32, #tpu.memory_space<vmem>>) offsets(%arg8 : memref<96xi32, #tpu.memory_space<vmem>>) semaphore(%arg12 : memref<!tpu.dma_semaphore, #tpu.memory_space<semaphore_mem>>)
    %dma_start3A_38 = arith.constant 384 : i32
    %dma_start3A_39 = arith.constant 0 : i32
    %dma_start3A_40 = tpu.memref_slice %arg11[%dma_start3A_38, %dma_start3A_39] : memref<576x128xf32, #tpu.memory_space<vmem>> -> memref<96x128xf32, #tpu.memory_space<vmem>>
    %dma_start3A_41 = arith.constant 0 : i32
    %dma_start3A_42 = arith.constant 0 : i32
    %dma_start3A_43 = tpu.memref_slice %arg2[%dma_start3A_41, %dma_start3A_42] : memref<1024x128xf32, #tpu.memory_space<hbm>> -> memref<1024x128xf32, #tpu.memory_space<hbm>>
    tpu.enqueue_indirect_dma source(%dma_start3A_43 : memref<1024x128xf32, #tpu.memory_space<hbm>>) target(%dma_start3A_40 : memref<96x128xf32, #tpu.memory_space<vmem>>) offsets(%arg9 : memref<96xi32, #tpu.memory_space<vmem>>) semaphore(%arg12 : memref<!tpu.dma_semaphore, #tpu.memory_space<semaphore_mem>>)
    %dma_start3A_44 = arith.constant 480 : i32
    %dma_start3A_45 = arith.constant 0 : i32
    %dma_start3A_46 = tpu.memref_slice %arg11[%dma_start3A_44, %dma_start3A_45] : memref<576x128xf32, #tpu.memory_space<vmem>> -> memref<96x128xf32, #tpu.memory_space<vmem>>
    %dma_start3A_47 = arith.constant 0 : i32
    %dma_start3A_48 = arith.constant 0 : i32
    %dma_start3A_49 = tpu.memref_slice %arg2[%dma_start3A_47, %dma_start3A_48] : memref<1024x128xf32, #tpu.memory_space<hbm>> -> memref<1024x128xf32, #tpu.memory_space<hbm>>
    tpu.enqueue_indirect_dma source(%dma_start3A_49 : memref<1024x128xf32, #tpu.memory_space<hbm>>) target(%dma_start3A_46 : memref<96x128xf32, #tpu.memory_space<vmem>>) offsets(%arg10 : memref<96xi32, #tpu.memory_space<vmem>>) semaphore(%arg12 : memref<!tpu.dma_semaphore, #tpu.memory_space<semaphore_mem>>)
    %dma_wait3A = arith.constant 0 : i32
    %dma_wait3A_50 = arith.constant 0 : i32
    %dma_wait3A_51 = tpu.memref_slice %arg11[%dma_wait3A, %dma_wait3A_50] : memref<576x128xf32, #tpu.memory_space<vmem>> -> memref<96x128xf32, #tpu.memory_space<vmem>>
    %dma_wait3A_52 = arith.constant 0 : i32
    %dma_wait3A_53 = arith.constant 0 : i32
    %dma_wait3A_54 = tpu.memref_slice %arg2[%dma_wait3A_52, %dma_wait3A_53] : memref<1024x128xf32, #tpu.memory_space<hbm>> -> memref<1024x128xf32, #tpu.memory_space<hbm>>
    tpu.wait_indirect_dma semaphore(%arg12 : memref<!tpu.dma_semaphore, #tpu.memory_space<semaphore_mem>>) src(%dma_wait3A_54 : memref<1024x128xf32, #tpu.memory_space<hbm>>) dst(%dma_wait3A_51 : memref<96x128xf32, #tpu.memory_space<vmem>>)
    %dma_wait3A_55 = arith.constant 96 : i32
    %dma_wait3A_56 = arith.constant 0 : i32
    %dma_wait3A_57 = tpu.memref_slice %arg11[%dma_wait3A_55, %dma_wait3A_56] : memref<576x128xf32, #tpu.memory_space<vmem>> -> memref<96x128xf32, #tpu.memory_space<vmem>>
    %dma_wait3A_58 = arith.constant 0 : i32
    %dma_wait3A_59 = arith.constant 0 : i32
    %dma_wait3A_60 = tpu.memref_slice %arg2[%dma_wait3A_58, %dma_wait3A_59] : memref<1024x128xf32, #tpu.memory_space<hbm>> -> memref<1024x128xf32, #tpu.memory_space<hbm>>
    tpu.wait_indirect_dma semaphore(%arg12 : memref<!tpu.dma_semaphore, #tpu.memory_space<semaphore_mem>>) src(%dma_wait3A_60 : memref<1024x128xf32, #tpu.memory_space<hbm>>) dst(%dma_wait3A_57 : memref<96x128xf32, #tpu.memory_space<vmem>>)
    %dma_wait3A_61 = arith.constant 192 : i32
    %dma_wait3A_62 = arith.constant 0 : i32
    %dma_wait3A_63 = tpu.memref_slice %arg11[%dma_wait3A_61, %dma_wait3A_62] : memref<576x128xf32, #tpu.memory_space<vmem>> -> memref<96x128xf32, #tpu.memory_space<vmem>>
    %dma_wait3A_64 = arith.constant 0 : i32
    %dma_wait3A_65 = arith.constant 0 : i32
    %dma_wait3A_66 = tpu.memref_slice %arg2[%dma_wait3A_64, %dma_wait3A_65] : memref<1024x128xf32, #tpu.memory_space<hbm>> -> memref<1024x128xf32, #tpu.memory_space<hbm>>
    tpu.wait_indirect_dma semaphore(%arg12 : memref<!tpu.dma_semaphore, #tpu.memory_space<semaphore_mem>>) src(%dma_wait3A_66 : memref<1024x128xf32, #tpu.memory_space<hbm>>) dst(%dma_wait3A_63 : memref<96x128xf32, #tpu.memory_space<vmem>>)
    %dma_wait3A_67 = arith.constant 288 : i32
    %dma_wait3A_68 = arith.constant 0 : i32
    %dma_wait3A_69 = tpu.memref_slice %arg11[%dma_wait3A_67, %dma_wait3A_68] : memref<576x128xf32, #tpu.memory_space<vmem>> -> memref<96x128xf32, #tpu.memory_space<vmem>>
    %dma_wait3A_70 = arith.constant 0 : i32
    %dma_wait3A_71 = arith.constant 0 : i32
    %dma_wait3A_72 = tpu.memref_slice %arg2[%dma_wait3A_70, %dma_wait3A_71] : memref<1024x128xf32, #tpu.memory_space<hbm>> -> memref<1024x128xf32, #tpu.memory_space<hbm>>
    tpu.wait_indirect_dma semaphore(%arg12 : memref<!tpu.dma_semaphore, #tpu.memory_space<semaphore_mem>>) src(%dma_wait3A_72 : memref<1024x128xf32, #tpu.memory_space<hbm>>) dst(%dma_wait3A_69 : memref<96x128xf32, #tpu.memory_space<vmem>>)
    %dma_wait3A_73 = arith.constant 384 : i32
    %dma_wait3A_74 = arith.constant 0 : i32
    %dma_wait3A_75 = tpu.memref_slice %arg11[%dma_wait3A_73, %dma_wait3A_74] : memref<576x128xf32, #tpu.memory_space<vmem>> -> memref<96x128xf32, #tpu.memory_space<vmem>>
    %dma_wait3A_76 = arith.constant 0 : i32
    %dma_wait3A_77 = arith.constant 0 : i32
    %dma_wait3A_78 = tpu.memref_slice %arg2[%dma_wait3A_76, %dma_wait3A_77] : memref<1024x128xf32, #tpu.memory_space<hbm>> -> memref<1024x128xf32, #tpu.memory_space<hbm>>
    tpu.wait_indirect_dma semaphore(%arg12 : memref<!tpu.dma_semaphore, #tpu.memory_space<semaphore_mem>>) src(%dma_wait3A_78 : memref<1024x128xf32, #tpu.memory_space<hbm>>) dst(%dma_wait3A_75 : memref<96x128xf32, #tpu.memory_space<vmem>>)
    %dma_wait3A_79 = arith.constant 480 : i32
    %dma_wait3A_80 = arith.constant 0 : i32
    %dma_wait3A_81 = tpu.memref_slice %arg11[%dma_wait3A_79, %dma_wait3A_80] : memref<576x128xf32, #tpu.memory_space<vmem>> -> memref<96x128xf32, #tpu.memory_space<vmem>>
    %dma_wait3A_82 = arith.constant 0 : i32
    %dma_wait3A_83 = arith.constant 0 : i32
    %dma_wait3A_84 = tpu.memref_slice %arg2[%dma_wait3A_82, %dma_wait3A_83] : memref<1024x128xf32, #tpu.memory_space<hbm>> -> memref<1024x128xf32, #tpu.memory_space<hbm>>
    tpu.wait_indirect_dma semaphore(%arg12 : memref<!tpu.dma_semaphore, #tpu.memory_space<semaphore_mem>>) src(%dma_wait3A_84 : memref<1024x128xf32, #tpu.memory_space<hbm>>) dst(%dma_wait3A_81 : memref<96x128xf32, #tpu.memory_space<vmem>>)
    "tpu.region"() ({
      %run_scoped3A = tpu.sem_alloc : memref<!tpu.dma_semaphore, #tpu.memory_space<semaphore_mem>>
      %dma_start3A_85 = arith.constant 0 : i32
      %dma_start3A_86 = tpu.memref_slice %arg4[%mul3A_2, %dma_start3A_85] : memref<18432x128xf32, #tpu.memory_space<hbm>> -> memref<576x128xf32, #tpu.memory_space<hbm>>
      %dma_start3A_87 = arith.constant 0 : i32
      %dma_start3A_88 = tpu.memref_slice %arg4[%mul3A_2, %dma_start3A_87] : memref<18432x128xf32, #tpu.memory_space<hbm>> -> memref<576x128xf32, #tpu.memory_space<hbm>>
      tpu.enqueue_dma source(%arg11 : memref<576x128xf32, #tpu.memory_space<vmem>>) target(%dma_start3A_88 : memref<576x128xf32, #tpu.memory_space<hbm>>) target_semaphore(%run_scoped3A : memref<!tpu.dma_semaphore, #tpu.memory_space<semaphore_mem>>)
      %dma_wait3A_89 = arith.constant 0 : i32
      %dma_wait3A_90 = tpu.memref_slice %arg4[%mul3A_2, %dma_wait3A_89] : memref<18432x128xf32, #tpu.memory_space<hbm>> -> memref<576x128xf32, #tpu.memory_space<hbm>>
      %dma_wait3A_91 = arith.constant 0 : i32
      %dma_wait3A_92 = tpu.memref_slice %arg4[%mul3A_2, %dma_wait3A_91] : memref<18432x128xf32, #tpu.memory_space<hbm>> -> memref<576x128xf32, #tpu.memory_space<hbm>>
      tpu.wait_dma2 semaphore(%run_scoped3A : memref<!tpu.dma_semaphore, #tpu.memory_space<semaphore_mem>>) src(%arg11 : memref<576x128xf32, #tpu.memory_space<vmem>>) dst(%dma_wait3A_92 : memref<576x128xf32, #tpu.memory_space<hbm>>)
      tpu.yield
    }) : () -> ()
    return
  }
}

module attributes {stable_mosaic.version = 14 : i64} {
  func.func @_vq_idx_body(%arg0: i32, %arg1: memref<512x64xf32, #tpu.memory_space<vmem>>, %arg2: memref<64x1024xf32, #tpu.memory_space<vmem>>, %arg3: memref<512x1xi32, #tpu.memory_space<vmem>>, %arg4: memref<1x1xf32, #tpu.memory_space<smem>>, %arg5: memref<1x1024xf32, #tpu.memory_space<vmem>>) attributes {dimension_semantics = [#tpu.dimension_semantics<arbitrary>], iteration_bounds = array<i64: 36>, scalar_prefetch = 0 : i64, scratch_operands = 1 : i64, tpu.core_type = #tpu.core_type<tc>, window_params = [{transform_indices = @transform_0, window_bounds = array<i64: 512, 64>}, {pipeline_mode = #tpu.pipeline_mode<synchronous>, transform_indices = @transform_1, window_bounds = array<i64: 64, 1024>}, {transform_indices = @transform_2, window_bounds = array<i64: 512, 1>}, {transform_indices = @transform_3, window_bounds = array<i64: 1, 1>}]} {
    %get3A = arith.constant 0 : index
    %get3A_0 = arith.constant 0 : index
    %get3A_1 = vector.load %arg2[%get3A, %get3A_0] : memref<64x1024xf32, #tpu.memory_space<vmem>>, vector<64x1024xf32>
    %eq3A = arith.constant 0 : i32
    %eq3A_2 = arith.cmpi eq, %arg0, %eq3A : i32
    %convert_element_type3A = arith.extui %eq3A_2 : i1 to i32
    %cond3A = arith.constant 0 : i32
    %cond3A_3 = arith.cmpi ne, %convert_element_type3A, %cond3A : i32
    scf.if %cond3A_3 {
      %mul3A_42 = arith.mulf %get3A_1, %get3A_1 : vector<64x1024xf32>
      %reduce_sum3A_43 = arith.constant dense<0.000000e+00> : vector<1024xf32>
      %reduce_sum3A_44 = vector.multi_reduction <add>, %mul3A_42, %reduce_sum3A_43 [0] : vector<64x1024xf32> to vector<1024xf32>
      %broadcast_in_dim3A_45 = vector.shape_cast %reduce_sum3A_44 : vector<1024xf32> to vector<1x1024xf32>
      %mul3A_46 = arith.constant -5.000000e-01 : f32
      %mul3A_47 = vector.broadcast %mul3A_46 : f32 to vector<1x1024xf32>
      %mul3A_48 = arith.mulf %mul3A_47, %broadcast_in_dim3A_45 : vector<1x1024xf32>
      %swap3A_49 = arith.constant 0 : index
      %swap3A_50 = arith.constant 0 : index
      %swap3A_51 = vector.load %arg5[%swap3A_49, %swap3A_50] : memref<1x1024xf32, #tpu.memory_space<vmem>>, vector<1x1024xf32>
      tpu.vector_store %arg5[%swap3A_49, %swap3A_50], %mul3A_48 {strides = array<i32>} : memref<1x1024xf32, #tpu.memory_space<vmem>>, vector<1x1024xf32>,
      %swap3A_52 = arith.constant 0.000000e+00 : f32
      %swap3A_53 = arith.constant 0 : index
      %swap3A_54 = arith.constant 0 : index
      %swap3A_55 = memref.load %arg4[%swap3A_53, %swap3A_54] : memref<1x1xf32, #tpu.memory_space<smem>>
      memref.store %swap3A_52, %arg4[%swap3A_53, %swap3A_54] : memref<1x1xf32, #tpu.memory_space<smem>>
    } else {
    }
    %get3A_4 = arith.constant 0 : index
    %get3A_5 = arith.constant 0 : index
    %get3A_6 = vector.load %arg1[%get3A_4, %get3A_5] : memref<512x64xf32, #tpu.memory_space<vmem>>, vector<512x64xf32>
    %dot_general3A = arith.constant dense<0.000000e+00> : vector<512x1024xf32>
    %dot_general3A_7 = tpu.matmul %get3A_6, %get3A_1, %dot_general3A {dimension_numbers = #tpu.dot_dimension_numbers<[1], [0], [0], [1], [0, 0, 1, 1], [], []>, transpose_lhs_hint = false} : vector<512x64xf32>, vector<64x1024xf32>, vector<512x1024xf32> -> vector<512x1024xf32>
    %get3A_8 = arith.constant 0 : index
    %get3A_9 = arith.constant 0 : index
    %get3A_10 = vector.load %arg5[%get3A_8, %get3A_9] : memref<1x1024xf32, #tpu.memory_space<vmem>>, vector<1x1024xf32>
    %add3A = vector.broadcast %get3A_10 : vector<1x1024xf32> to vector<512x1024xf32>
    %add3A_11 = arith.addf %dot_general3A_7, %add3A : vector<512x1024xf32>
    %reduce_max3A = arith.constant dense<0xFF800000> : vector<512xf32>
    %reduce_max3A_12 = vector.multi_reduction <maximumf>, %add3A_11, %reduce_max3A [1] : vector<512x1024xf32> to vector<512xf32>
    %broadcast_in_dim3A = vector.shape_cast %reduce_max3A_12 : vector<512xf32> to vector<512x1xf32>
    %iota3A = tpu.iota {dimensions = array<i32: 1>} : vector<512x1024xi32>
    %convert_element_type3A_13 = arith.sitofp %iota3A : vector<512x1024xi32> to vector<512x1024xf32>
    %eq3A_14 = vector.broadcast %broadcast_in_dim3A : vector<512x1xf32> to vector<512x1024xf32>
    %eq3A_15 = arith.cmpf oeq, %add3A_11, %eq3A_14 : vector<512x1024xf32>
    %jit3A = arith.constant 1.024000e+03 : f32
    %broadcast_in_dim3A_16 = vector.broadcast %jit3A : f32 to vector<512x1024xf32>
    %select_n3A = arith.select %eq3A_15, %convert_element_type3A_13, %broadcast_in_dim3A_16 : vector<512x1024xi1>, vector<512x1024xf32>
    %reduce_min3A = arith.constant dense<0x7F800000> : vector<512xf32>
    %reduce_min3A_17 = vector.multi_reduction <minimumf>, %select_n3A, %reduce_min3A [1] : vector<512x1024xf32> to vector<512xf32>
    %broadcast_in_dim3A_18 = vector.shape_cast %reduce_min3A_17 : vector<512xf32> to vector<512x1xf32>
    %convert_element_type3A_19 = arith.fptosi %broadcast_in_dim3A_18 : vector<512x1xf32> to vector<512x1xi32>
    %swap3A = arith.constant 0 : index
    %swap3A_20 = arith.constant 0 : index
    %swap3A_21 = vector.load %arg3[%swap3A, %swap3A_20] : memref<512x1xi32, #tpu.memory_space<vmem>>, vector<512x1xi32>
    tpu.vector_store %arg3[%swap3A, %swap3A_20], %convert_element_type3A_19 {strides = array<i32>} : memref<512x1xi32, #tpu.memory_space<vmem>>, vector<512x1xi32>,
    %mul3A = arith.mulf %get3A_6, %get3A_6 : vector<512x64xf32>
    %reduce_sum3A = vector.shape_cast %mul3A : vector<512x64xf32> to vector<1x512x64xf32>
    %reduce_sum3A_22 = arith.constant dense<0.000000e+00> : vector<1xf32>
    %reduce_sum3A_23 = vector.multi_reduction <add>, %reduce_sum3A, %reduce_sum3A_22 [1, 2] : vector<1x512x64xf32> to vector<1xf32>
    %reduce_sum3A_24 = vector.shape_cast %reduce_sum3A_23 : vector<1xf32> to vector<1x1x1xf32>
    %reduce_sum3A_25 = vector.extract %reduce_sum3A_24[0, 0, 0] : f32 from vector<1x1x1xf32>
    %get3A_26 = arith.constant 0 : index
    %get3A_27 = arith.constant 0 : index
    %get3A_28 = memref.load %arg4[%get3A_26, %get3A_27] : memref<1x1xf32, #tpu.memory_space<smem>>
    %reduce_sum3A_29 = vector.shape_cast %broadcast_in_dim3A : vector<512x1xf32> to vector<1x512x1xf32>
    %reduce_sum3A_30 = arith.constant dense<0.000000e+00> : vector<1xf32>
    %reduce_sum3A_31 = vector.multi_reduction <add>, %reduce_sum3A_29, %reduce_sum3A_30 [1, 2] : vector<1x512x1xf32> to vector<1xf32>
    %reduce_sum3A_32 = vector.shape_cast %reduce_sum3A_31 : vector<1xf32> to vector<1x1x1xf32>
    %reduce_sum3A_33 = vector.extract %reduce_sum3A_32[0, 0, 0] : f32 from vector<1x1x1xf32>
    %mul3A_34 = arith.constant 2.000000e+00 : f32
    %mul3A_35 = arith.mulf %mul3A_34, %reduce_sum3A_33 : f32
    %sub3A = arith.subf %reduce_sum3A_25, %mul3A_35 : f32
    %mul3A_36 = arith.constant 1.05963818E-6 : f32
    %mul3A_37 = arith.mulf %sub3A, %mul3A_36 : f32
    %add3A_38 = arith.addf %get3A_28, %mul3A_37 : f32
    %swap3A_39 = arith.constant 0 : index
    %swap3A_40 = arith.constant 0 : index
    %swap3A_41 = memref.load %arg4[%swap3A_39, %swap3A_40] : memref<1x1xf32, #tpu.memory_space<smem>>
    memref.store %add3A_38, %arg4[%swap3A_39, %swap3A_40] : memref<1x1xf32, #tpu.memory_space<smem>>
    return
  }
  func.func @transform_0(%arg0: i32) -> (i32, i32) {
    %c0_i32 = arith.constant 0 : i32
    %c0_i32_0 = arith.constant 0 : i32
    return %arg0, %c0_i32 : i32, i32
  }
  func.func @transform_1(%arg0: i32) -> (i32, i32) {
    %c0_i32 = arith.constant 0 : i32
    %c0_i32_0 = arith.constant 0 : i32
    %c0_i32_1 = arith.constant 0 : i32
    return %c0_i32, %c0_i32_0 : i32, i32
  }
  func.func @transform_2(%arg0: i32) -> (i32, i32) {
    %c0_i32 = arith.constant 0 : i32
    %c0_i32_0 = arith.constant 0 : i32
    return %arg0, %c0_i32 : i32, i32
  }
  func.func @transform_3(%arg0: i32) -> (i32, i32) {
    %c0_i32 = arith.constant 0 : i32
    %c0_i32_0 = arith.constant 0 : i32
    %c0_i32_1 = arith.constant 0 : i32
    return %c0_i32, %c0_i32_0 : i32, i32
  }
}

</mosaic_0001>

<sc_bundles>
// kernel: kernel.4.cloned.1.call-start
scs
__scs_entry_jumppad:
0x0: {  	(pc) =	sbr.rel $0x88, $3  }
0x1: {  	(tag) =	ssettag $0x0;
	lr =	simm.s32 $0x1  }
0x2: {  	[smem:$0x3F9F] =	sst lr;
	_ =	strace $0xD0000000  }
0x3: {  	_ = 	snop  }
0x4: {  	_ = 	snop  }
0x5: {  	_ = 	snop  }
0x6: {  	_ = 	snop  }
0x7: {  	_ = 	snop  }
__scs_overlays_trampoline_lowered:
0x8: {  	[smem:$0x3FAE] =	sst s0  }
0x9: {  	[smem:$0x3FAF] =	sst s1  }
0xa: {  	[smem:$0x3FB0] =	sst s2  }
0xb: {  	[smem:$0x3FB1] =	sst s3  }
0xc: {  	[smem:$0x3FB2] =	sst s4  }
0xd: {  	[smem:$0x3FB3] =	sst s5  }
0xe: {  	[smem:$0x3FB4] =	sst s6  }
0xf: {  	[smem:$0x3FB5] =	sst s7  }
0x10: {  	[smem:$0x3FB6] =	sst s8  }
0x11: {  	[smem:$0x3FB7] =	sst s9;
	s0 =	simm.s32 @!p0 $0x0  }
0x12: {  	s1 =	sld [smem:$0x3F9D];
	s0 =	simm.s32 @p0 $0x1  }
0x13: {  	[smem:$0x3FB8] =	sst s0;
	s0 =	simm.s32 @!p1 $0x0  }
0x14: {  	s2 =	sld [smem:$0x3F9C];
	s0 =	simm.s32 @p1 $0x1  }
0x15: {  	[smem:$0x3FB9] =	sst s0;
	s0 =	simm.s32 @!p2 $0x0  }
0x16: {  	s3 =	sld [smem:$0x3FDB];
	s0 =	simm.s32 @p2 $0x1  }
0x17: {  	s4 =	simm.s32 $0x1BF5;
	[smem:$0x3FBB] =	sst s0  }
0x18: {  	s0 =	sld [smem:$0x3F9E];
	_ =	swait.ge [sflag:s4], $0x0  }
0x19: {  	s7 =	sld [smem:$0x3F9F]  }
0x1a: {  	s8 =	sadd.s32 $0xFFFFE003, lr  }
0x1b: {  	s9 =	sadd.s32 $0xFFFFFEF7, lr;
	s5 =	simm.s32 $0xFFFFFFFF;
	p2 =	slt.u32 s8, $0xFFFFF086  }
0x1c: {  	p1 =	slt.u32 s9, $0xF7A;
	s5 =	simm.s32 @!p2 $0x0  }
0x1d: {  	s5 =	simm.s32 @p1 $0x1;
	p0 =	seq.s32 s7, s2  }
0x1e: {  	s7 =	smul.u32 @!p0 $0xF7A, s2;
	p2 =	seq.s32 @!p0 s5, $0x0  }
0x1f: {  	s9 =	smul.u32 $0xF7A, s1;
	s8 =	simm.s32 @!p0 $0x1BF5;
	p2 =	por !p2, p0  }
0x20: {  	[sflag:s8] =	ssyncset.s32 @!p0 $0xFFFFF086;
	s6 =	sadd.s32 @!p0 s3, s7;
	s7 =	simm.s32 @!p0 $0x108  }
0x21: {  	s3 =	sadd.s32 s3, s9;
	s6 =	sadd.s32 @!p0 $0x88, s6;
	s7 =	simm.s32 @p2 $0x1082  }
0x22: {  	[simem:s7], [sflag:s8] =	dma.local @!p0 [hbm:s6], $0xF7A  }
0x23: {  	s9 =	sor.u32 $0xD0000000, s2;
	s6 =	simm.s32 $0x108;
	_ =	swait.ge @!p0 [sflag:s8], $0x0  }
0x24: {  	s3 =	sadd.s32 $0x88, s3;
	s6 =	simm.s32 @!p1 $0x1082;
	[sflag:s4] =	ssyncset.s32 $0xFFFFF086  }
0x25: {  	[simem:s6], [sflag:s4] =	dma.local [hbm:s3], $0xF7A  }
0x26: {  	[smem:$0x3F9F] =	sst s1;
	(tag) =	ssettag s2;
	_ =	strace s9  }
0x27: {  	s1 =	sld [smem:$0x3FAF]  }
0x28: {  	s2 =	sld [smem:$0x3FB0]  }
0x29: {  	s4 =	sld [smem:$0x3FB2]  }
0x2a: {  	p0 =	seq.s32 s5, $0x0;
	s5 =	sld [smem:$0x3FB3]  }
0x2b: {  	s6 =	sld [smem:$0x3FB4]  }
0x2c: {  	s7 =	sld [smem:$0x3FB5]  }
0x2d: {  	s3 =	simm.s32 $0x108;
	s8 =	sld [smem:$0x3FB6]  }
0x2e: {  	s3 =	simm.s32 @!p0 $0x1082;
	s9 =	sld [smem:$0x3FB7]  }
0x2f: {  	lr =	sadd.s32 s0, s3;
	s0 =	sld [smem:$0x3FAE]  }
0x30: {  	s3 =	sld [smem:$0x3FB1]  }
0x31: {  	[smem:$0x3FBA] =	sst s10  }
0x32: {  	s10 =	sld [smem:$0x3FB8];
	_ =	sdelay $0x3  }
0x33: {  	p0 =	seq.s32 s10, $0x1;
	s10 =	sld [smem:$0x3FBA];
	_ =	sdelay $0x3  }
0x34: {  	[smem:$0x3FBA] =	sst s10  }
0x35: {  	s10 =	sld [smem:$0x3FB9];
	_ =	sdelay $0x3  }
0x36: {  	p1 =	seq.s32 s10, $0x1;
	s10 =	sld [smem:$0x3FBA];
	_ =	sdelay $0x3  }
0x37: {  	[smem:$0x3FBA] =	sst s10  }
0x38: {  	s10 =	sld [smem:$0x3FBB]  }
0x39: {  	_ = 	snop;
	(pc) =	sbr.ind lr, $3  }
0x3a: {  	_ = 	snop  }
0x3b: {  	_ = 	snop  }
0x3c: {  	p2 =	seq.s32 s10, $0x1;
	s10 =	sld [smem:$0x3FBA]  }
0x3d: {  	_ =	shalt  }
0x3e: {  	_ =	shalt  }
0x3f: {  	_ =	shalt  }
0x40: {  	_ =	shalt  }
0x41: {  	_ =	shalt  }
0x42: {  	_ =	shalt  }
0x43: {  	_ =	shalt  }
0x44: {  	_ =	shalt  }
0x45: {  	_ =	shalt  }
0x46: {  	_ =	shalt  }
0x47: {  	_ =	shalt  }
0x48: {  	_ =	shalt  }
0x49: {  	_ =	shalt  }
0x4a: {  	_ =	shalt  }
0x4b: {  	_ =	shalt  }
0x4c: {  	_ =	shalt  }
0x4d: {  	_ =	shalt  }
0x4e: {  	_ =	shalt  }
0x4f: {  	_ =	shalt  }
0x50: {  	_ =	shalt  }
0x51: {  	_ =	shalt  }
0x52: {  	_ =	shalt  }
0x53: {  	_ =	shalt  }
0x54: {  	_ =	shalt  }
0x55: {  	_ =	shalt  }
0x56: {  	_ =	shalt  }
0x57: {  	_ =	shalt  }
0x58: {  	_ =	shalt  }
0x59: {  	_ =	shalt  }
0x5a: {  	_ =	shalt  }
0x5b: {  	_ =	shalt  }
0x5c: {  	_ =	shalt  }
0x5d: {  	_ =	shalt  }
0x5e: {  	_ =	shalt  }
0x5f: {  	_ =	shalt  }
0x60: {  	_ =	shalt  }
0x61: {  	_ =	shalt  }
0x62: {  	_ =	shalt  }
0x63: {  	_ =	shalt  }
0x64: {  	_ =	shalt  }
0x65: {  	_ =	shalt  }
0x66: {  	_ =	shalt  }
0x67: {  	_ =	shalt  }
0x68: {  	_ =	shalt  }
0x69: {  	_ =	shalt  }
0x6a: {  	_ =	shalt  }
0x6b: {  	_ =	shalt  }
0x6c: {  	_ =	shalt  }
0x6d: {  	_ =	shalt  }
0x6e: {  	_ =	shalt  }
0x6f: {  	_ =	shalt  }
0x70: {  	_ =	shalt  }
0x71: {  	_ =	shalt  }
0x72: {  	_ =	shalt  }
0x73: {  	_ =	shalt  }
0x74: {  	_ =	shalt  }
0x75: {  	_ =	shalt  }
0x76: {  	_ =	shalt  }
0x77: {  	_ =	shalt  }
0x78: {  	_ =	shalt  }
0x79: {  	_ =	shalt  }
0x7a: {  	_ =	shalt  }
0x7b: {  	_ =	shalt  }
0x7c: {  	_ =	shalt  }
0x7d: {  	_ =	shalt  }
0x7e: {  	_ =	shalt  }
0x7f: {  	_ =	shalt  }
0x80: {  	_ =	shalt  }
0x81: {  	_ =	shalt  }
0x82: {  	_ =	shalt  }
0x83: {  	_ =	shalt  }
0x84: {  	_ =	shalt  }
0x85: {  	_ =	shalt  }
0x86: {  	_ =	shalt  }
0x87: {  	_ =	shalt  }
.Lfunc_end0:
.L_simem_size_0:
called_computation_lowered:
.L_overlay_start_0:
0x88: {  	s2 =	sld [smem:$0x3FD9]  }
0x89: {  	s3 =	sld [smem:$0x3FFE];
	_ =	sdelay $0x1  }
0x8a: {  	s1 =	srdreg.scid  }
0x8b: {  	s0 =	sand.u32 $0x1, s1  }
0x8c: {  	s14 =	sshll.u32 s0, $0xA;
	s2 =	sadd.s32 s3, s2  }
0x8d: {  	s2 =	sadd.s32 s2, s14  }
0x8e: {  	[smem:$0x3FC6] =	sst s2  }
0x8f: {  	_ = 	snop  }
0x90: {  	s2 =	sld [smem:$0x3FD0];
	_ =	sdelay $0x2  }
0x91: {  	s15 =	simm.s32 $0xA;
	s4 =	simm.s32 $0x10  }
0x92: {  	[smem:s4], [sflag:s15] =	dma.local [hbm:s2], $0x1  }
0x93: {  	_ =	swait.eq [sflag:s15], $0x1  }
0x94: {  	[sflag:s15] =	ssyncset.done $0x0  }
0x95: {  	[sflag:s15] =	ssyncadd.s32 $0xFFFFFFFF  }
0x96: {  	s16 =	sld [smem:$0x10];
	(tm) =	ssettm $0x1  }
0x97: {  	s17 =	sld [smem:$0x3FFB];
	_ =	sdelay $0x3  }
0x98: {  	_ =	strace s17  }
0x99: {  	s3 =	sld [smem:$0x3FFC];
	_ =	sdelay $0x3  }
0x9a: {  	_ =	strace s3  }
0x9b: {  	s3 =	sld [smem:$0x3FFD];
	_ =	sdelay $0x3  }
0x9c: {  	_ =	strace s3  }
0x9d: {  	_ =	strace $0x8FFFFFFF  }
0x9e: {  	s18 =	sld [smem:$0x3FDB];
	_ =	sdelay $0x1  }
0x9f: {  	s19 =	simm.s32 $_scs_section_size  }
0xa0: {  	s5 =	simm.s32 $_size__tile_overlayer_lowered;
	s6 =	simm.s32 $_tile_overlayer_lowered  }
0xa1: {  	s22 =	simm.s32 $0x1BFF;
	s21 =	sshll.u32 s6, $0x1;
	s3 =	sadd.s32 s19, s18  }
0xa2: {  	s7 =	simm.s32 $0x0;
	s20 =	sshll.u32 s5, $0x1;
	s5 =	sadd.s32 s21, s3  }
0xa3: {  	[timem:s7], [sflag:s22] =	dma.local [hbm:s5], s20  }
0xa4: {  	_ =	swait.ge [sflag:s22], s20  }
0xa5: {  	s4 =	ssub.s32 $0x0, s20;
	[sflag:s22] =	ssyncset.done $0x0  }
0xa6: {  	[sflag:s22] =	ssyncadd.s32 s4;
	_ =	sdelay $0x1  }
0xa7: {  	s23 =	simm.s32 $0x1B8B  }
0xa8: {  	_ =	swait.ge [sflag:s23], $0x1  }
0xa9: {  	[sflag:s23] =	ssyncset.done $0x0  }
0xaa: {  	s25 =	simm.s32 $0x1B8E;
	s24 =	sld [smem:$0x3FFE];
	[sflag:s23] =	ssyncadd.s32 $0xFFFFFFFF  }
0xab: {  	s26 =	simm.s32 $execute0_lowered;
	[smem:$0x3FD2] =	sst s25  }
0xac: {  	s5 =	sshll.u32 s26, $0x1;
	_ =	strace $0x80000046;
	[dreg:$0x1] =	wrdreg $0xFFFFFFFF  }
0xad: {  	s28 =	simm.s32 $_size_execute0_lowered;
	s3 =	sadd.s32 s3, s5;
	[dreg:$0x0] =	wrdreg $0x0  }
0xae: {  	s5 =	sshll.u32 s28, $0x1;
	[dreg:$0x2] =	wrdreg s3  }
0xaf: {  	[dreg:$0x3] =	wrdreg s5  }
0xb0: {  	[dreg:$0x4] =	wrdreg $0xC0  }
0xb1: {  	_ =	task [dreg:s7], $0x5FFFF  }
0xb2: {  	[dreg:$0x1] =	wrdreg $0xFFFFFFFF  }
0xb3: {  	[dreg:$0x0] =	wrdreg $0x60  }
0xb4: {  	[dreg:$0x2] =	wrdreg s16  }
0xb5: {  	[dreg:$0x3] =	wrdreg s24  }
0xb6: {  	[dreg:$0x4] =	wrdreg $0x9  }
0xb7: {  	_ =	task.clear_ibuf [dreg:s7], $0x5FFFF;
	_ =	strace $0x90000046  }
0xb8: {  	s29 =	simm.s32 $0x9;
	_ =	strace $0x80000048  }
0xb9: {  	_ =	swait.ge [sflag:s29], $0x1  }
0xba: {  	[sflag:s29] =	ssyncadd.s32 $0xFFFFFFFF  }
0xbb: {  	_ =	strace $0x90000048  }
0xbc: {  	_ =	sfence  }
0xbd: {  	s30 =	sld [smem:$0x0];
	_ =	sdelay $0x2  }
0xbe: {  	s31 =	sshll.u32 s1, $0xD;
	s1 =	sshrl.u32 s1, $0x2  }
0xbf: {  	s3 =	sand.u32 $0x4000, s31;
	s1 =	sadd.s32 s1, s30  }
0xc0: {  	s0 =	sor.u32 s3, s0;
	s1 =	sshll.u32 s1, $0x11  }
0xc1: {  	s0 =	sor.u32 s1, s0  }
0xc2: {  	s0 =	sadd.s32 $0x8F2B, s0  }
0xc3: {  	[sflag:s0] =	ssyncadd.remote.s32 $0x1  }
0xc4: {  	_ =	sfence.sel $0xFFFF  }
0xc5: {  	[dreg:$0x0] =	wrdreg $0xFFFFFFFF;
	(pc) =	sbr.abs _section_cstart, $3  }
0xc6: {  	[dreg:$0x1] =	wrdreg $0xFFFFFFFF  }
0xc7: {  	_ =	task.clear_ibuf [dreg:s7], $0x2FFFF;
	_ =	strace $0x9FFFFFFF  }
0xc8: {  	(tm) =	ssettm $0x7FFFFFFF  }
0xc9: {  	_ =	shalt  }
tec
execute0_lowered:
.L_overlay_start_1:
0x0: {  	(tag) =	ssettag $0x1  }
0x1: {  	s1 =	srdreg.scid;
	s0 =	stileid.u32  }
0x2: {  	s24 =	sand.u32 $0x1, s1;
	s29 =	sshll.u32 s0, $0x1  }
0x3: {  	s26 =	sor.u32 s24, s29  }
0x4: {  	s2 =	rddreg [dreg:$0x0];
	s4 =	smul.u32 $0x240, s26  }
0x5: {  	s25 =	rddreg [dreg:$0x1]  }
0x6: {  	s3 =	simm.s32 $0x0;
	s1 =	rddreg [dreg:$0x2];
	s4 =	sshrl.u32 s4, $0x3  }
0x7: {  	[smem:$0x7FF] =	sst s3;
	s14 =	sadd.s32 s4, s25  }
0x8: {  	_ =	strace $0x80000047;
	s4 =	simm.s32 $0x2;
	s5 =	sadd.s32 $0x400, s14  }
0x9: {  	[tilespmem:s3], [sflag:$0x2] =	stream.linear.gather [hbm4b:s5+s3], $0x60, $0x38;
	[tilespmem:$0x12300] =	vst v63  }
0xa: {  	_ =	swait.ge [sflag:s4], $0x60  }
0xb: {  	[sflag:s4] =	ssyncset.done $0x0  }
0xc: {  	s7 =	simm.s32 $0x80;
	s6 =	sadd.s32 $0x40C, s14;
	[sflag:s4] =	ssyncadd.s32 $0xFFFFFFA0  }
0xd: {  	[tilespmem:s7], [sflag:$0x2] =	stream.linear.gather [hbm4b:s6+s3], $0x60, $0x38;
	[tilespmem:$0x12300] =	vst v63  }
0xe: {  	_ =	swait.ge [sflag:s4], $0x60  }
0xf: {  	[sflag:s4] =	ssyncset.done $0x0  }
0x10: {  	s9 =	simm.s32 $0x100;
	s8 =	sadd.s32 $0x418, s14;
	[sflag:s4] =	ssyncadd.s32 $0xFFFFFFA0  }
0x11: {  	[tilespmem:s9], [sflag:$0x2] =	stream.linear.gather [hbm4b:s8+s3], $0x60, $0x38;
	[tilespmem:$0x12300] =	vst v63  }
0x12: {  	_ =	swait.ge [sflag:s4], $0x60  }
0x13: {  	[sflag:s4] =	ssyncset.done $0x0  }
0x14: {  	s11 =	simm.s32 $0x180;
	s10 =	sadd.s32 $0x424, s14;
	[sflag:s4] =	ssyncadd.s32 $0xFFFFFFA0  }
0x15: {  	[tilespmem:s11], [sflag:$0x2] =	stream.linear.gather [hbm4b:s10+s3], $0x60, $0x38;
	[tilespmem:$0x12300] =	vst v63  }
0x16: {  	_ =	swait.ge [sflag:s4], $0x60  }
0x17: {  	[sflag:s4] =	ssyncset.done $0x0  }
0x18: {  	s13 =	simm.s32 $0x200;
	s12 =	sadd.s32 $0x430, s14;
	[sflag:s4] =	ssyncadd.s32 $0xFFFFFFA0  }
0x19: {  	[tilespmem:s13], [sflag:$0x2] =	stream.linear.gather [hbm4b:s12+s3], $0x60, $0x38;
	[tilespmem:$0x12300] =	vst v63  }
0x1a: {  	_ =	swait.ge [sflag:s4], $0x60  }
0x1b: {  	[sflag:s4] =	ssyncset.done $0x0  }
0x1c: {  	s15 =	simm.s32 $0x280;
	s14 =	sadd.s32 $0x43C, s14;
	[sflag:s4] =	ssyncadd.s32 $0xFFFFFFA0  }
0x1d: {  	[tilespmem:s15], [sflag:$0x2] =	stream.linear.gather [hbm4b:s14+s3], $0x60, $0x38;
	[tilespmem:$0x12300] =	vst v63  }
0x1e: {  	_ =	swait.ge [sflag:s4], $0x60  }
0x1f: {  	[sflag:s4] =	ssyncset.done $0x0  }
0x20: {  	s16 =	simm.s32 $0x60;
	s17 =	simm.s32 $0x300;
	[sflag:s4] =	ssyncadd.s32 $0xFFFFFFA0  }
0x21: {  	[tilespmem:s17], [sflag:$0x1] =	stream.indirect.gather [hbm4b:s2+s16], $0x80, s3, s16, $0xb8;
	[tilespmem:$0x12300] =	vst v63  }
0x22: {  	s18 =	simm.s32 $0x3300  }
0x23: {  	[tilespmem:s18], [sflag:$0x1] =	stream.indirect.gather [hbm4b:s2+s16], $0x80, s7, s16, $0xb8;
	[tilespmem:$0x12300] =	vst v63  }
0x24: {  	s19 =	simm.s32 $0x6300  }
0x25: {  	[tilespmem:s19], [sflag:$0x1] =	stream.indirect.gather [hbm4b:s2+s16], $0x80, s9, s16, $0xb8;
	[tilespmem:$0x12300] =	vst v63  }
0x26: {  	s20 =	simm.s32 $0x9300  }
0x27: {  	[tilespmem:s20], [sflag:$0x1] =	stream.indirect.gather [hbm4b:s2+s16], $0x80, s11, s16, $0xb8;
	[tilespmem:$0x12300] =	vst v63  }
0x28: {  	s21 =	simm.s32 $0xC300  }
0x29: {  	[tilespmem:s21], [sflag:$0x1] =	stream.indirect.gather [hbm4b:s2+s16], $0x80, s13, s16, $0xb8;
	[tilespmem:$0x12300] =	vst v63  }
0x2a: {  	s22 =	simm.s32 $0xF300;
	s23 =	simm.s32 $0x1  }
0x2b: {  	[tilespmem:s22], [sflag:$0x1] =	stream.indirect.gather [hbm4b:s2+s16], $0x80, s15, s16, $0xb8;
	[tilespmem:$0x12300] =	vst v63  }
0x2c: {  	_ =	swait.ge [sflag:s23], $0x3000  }
0x2d: {  	[sflag:s23] =	ssyncset.done $0x0  }
0x2e: {  	[sflag:s23] =	ssyncadd.s32 $0xFFFFD000  }
0x2f: {  	_ =	swait.ge [sflag:s23], $0x3000  }
0x30: {  	[sflag:s23] =	ssyncset.done $0x0  }
0x31: {  	[sflag:s23] =	ssyncadd.s32 $0xFFFFD000  }
0x32: {  	_ =	swait.ge [sflag:s23], $0x3000  }
0x33: {  	[sflag:s23] =	ssyncset.done $0x0  }
0x34: {  	[sflag:s23] =	ssyncadd.s32 $0xFFFFD000  }
0x35: {  	_ =	swait.ge [sflag:s23], $0x3000  }
0x36: {  	[sflag:s23] =	ssyncset.done $0x0  }
0x37: {  	s24 =	ssub.s32 $0x2, s24;
	[sflag:s23] =	ssyncadd.s32 $0xFFFFD000  }
0x38: {  	s28 =	sshrl.u32 s24, $0x1;
	_ =	swait.ge [sflag:s23], $0x3000  }
0x39: {  	s30 =	ssub.s32 s24, s28;
	[sflag:s23] =	ssyncset.done $0x0  }
0x3a: {  	s26 =	smul.u32 $0x2400, s26;
	s31 =	smax.u32 s30, $0x1;
	[sflag:s23] =	ssyncadd.s32 $0xFFFFD000  }
0x3b: {  	p0 =	sne.s32 s31, $0x1;
	_ =	swait.ge [sflag:s23], $0x3000  }
.Ltmp0:
0x3c: {  	s25 =	sadd.s32 s26, s25;
	[sflag:s23] =	ssyncset.done $0x0;
	(pc) =	sbr.rel @!p0 .LBB2_2-.Ltmp0, $4  }
0x3d: {  	s24 =	sadd.s32 $0xE00, s25;
	[sflag:s23] =	ssyncadd.s32 $0xFFFFD000  }
0x3e: {  	[hbm4b:s24+s3] =	stream.linear.scatter [tilespmem:s17], [sflag:$0x2], $0x12000, $0x38;
	[tilespmem:$0x12300] =	vst v63  }
0x3f: {  	_ =	swait.ge [sflag:s4], $0x12000  }
0x40: {  	s25 =	sadd.s32 $0xFFFFFFFF, s31;
	[sflag:s4] =	ssyncset.done $0x0  }
.LBB2_1:
0x41: {  	p0 =	sne.s32 s25, $0x1;
	s25 =	sadd.s32 $0xFFFFFFFF, s25;
	[sflag:s4] =	ssyncadd.s32 $0xFFFEE000  }
0x42: {  	[tilespmem:s3], [sflag:$0x2] =	stream.linear.gather [hbm4b:s5+s3], $0x60, $0x38;
	[tilespmem:$0x12300] =	vst v63  }
0x43: {  	_ =	swait.ge [sflag:s4], $0x60  }
0x44: {  	[sflag:s4] =	ssyncset.done $0x0  }
0x45: {  	[sflag:s4] =	ssyncadd.s32 $0xFFFFFFA0  }
0x46: {  	[tilespmem:s7], [sflag:$0x2] =	stream.linear.gather [hbm4b:s6+s3], $0x60, $0x38;
	[tilespmem:$0x12300] =	vst v63  }
0x47: {  	_ =	swait.ge [sflag:s4], $0x60  }
0x48: {  	[sflag:s4] =	ssyncset.done $0x0  }
0x49: {  	[sflag:s4] =	ssyncadd.s32 $0xFFFFFFA0  }
0x4a: {  	[tilespmem:s9], [sflag:$0x2] =	stream.linear.gather [hbm4b:s8+s3], $0x60, $0x38;
	[tilespmem:$0x12300] =	vst v63  }
0x4b: {  	_ =	swait.ge [sflag:s4], $0x60  }
0x4c: {  	[sflag:s4] =	ssyncset.done $0x0  }
0x4d: {  	[sflag:s4] =	ssyncadd.s32 $0xFFFFFFA0  }
0x4e: {  	[tilespmem:s11], [sflag:$0x2] =	stream.linear.gather [hbm4b:s10+s3], $0x60, $0x38;
	[tilespmem:$0x12300] =	vst v63  }
0x4f: {  	_ =	swait.ge [sflag:s4], $0x60  }
0x50: {  	[sflag:s4] =	ssyncset.done $0x0  }
0x51: {  	[sflag:s4] =	ssyncadd.s32 $0xFFFFFFA0  }
0x52: {  	[tilespmem:s13], [sflag:$0x2] =	stream.linear.gather [hbm4b:s12+s3], $0x60, $0x38;
	[tilespmem:$0x12300] =	vst v63  }
0x53: {  	_ =	swait.ge [sflag:s4], $0x60  }
0x54: {  	[sflag:s4] =	ssyncset.done $0x0  }
0x55: {  	[sflag:s4] =	ssyncadd.s32 $0xFFFFFFA0  }
0x56: {  	[tilespmem:s15], [sflag:$0x2] =	stream.linear.gather [hbm4b:s14+s3], $0x60, $0x38;
	[tilespmem:$0x12300] =	vst v63  }
0x57: {  	_ =	swait.ge [sflag:s4], $0x60  }
0x58: {  	[sflag:s4] =	ssyncset.done $0x0  }
0x59: {  	[sflag:s4] =	ssyncadd.s32 $0xFFFFFFA0  }
0x5a: {  	[tilespmem:s17], [sflag:$0x1] =	stream.indirect.gather [hbm4b:s2+s16], $0x80, s3, s16, $0xb8;
	[tilespmem:$0x12300] =	vst v63  }
0x5b: {  	_ = 	snop  }
0x5c: {  	[tilespmem:s18], [sflag:$0x1] =	stream.indirect.gather [hbm4b:s2+s16], $0x80, s7, s16, $0xb8;
	[tilespmem:$0x12300] =	vst v63  }
0x5d: {  	_ = 	snop  }
0x5e: {  	[tilespmem:s19], [sflag:$0x1] =	stream.indirect.gather [hbm4b:s2+s16], $0x80, s9, s16, $0xb8;
	[tilespmem:$0x12300] =	vst v63  }
0x5f: {  	_ = 	snop  }
0x60: {  	[tilespmem:s20], [sflag:$0x1] =	stream.indirect.gather [hbm4b:s2+s16], $0x80, s11, s16, $0xb8;
	[tilespmem:$0x12300] =	vst v63  }
0x61: {  	_ = 	snop  }
0x62: {  	[tilespmem:s21], [sflag:$0x1] =	stream.indirect.gather [hbm4b:s2+s16], $0x80, s13, s16, $0xb8;
	[tilespmem:$0x12300] =	vst v63  }
0x63: {  	_ = 	snop  }
0x64: {  	[tilespmem:s22], [sflag:$0x1] =	stream.indirect.gather [hbm4b:s2+s16], $0x80, s15, s16, $0xb8;
	[tilespmem:$0x12300] =	vst v63  }
0x65: {  	_ =	swait.ge [sflag:s23], $0x3000  }
0x66: {  	[sflag:s23] =	ssyncset.done $0x0  }
0x67: {  	[sflag:s23] =	ssyncadd.s32 $0xFFFFD000  }
0x68: {  	_ =	swait.ge [sflag:s23], $0x3000  }
0x69: {  	[sflag:s23] =	ssyncset.done $0x0  }
0x6a: {  	[sflag:s23] =	ssyncadd.s32 $0xFFFFD000  }
0x6b: {  	_ =	swait.ge [sflag:s23], $0x3000  }
0x6c: {  	[sflag:s23] =	ssyncset.done $0x0  }
0x6d: {  	[sflag:s23] =	ssyncadd.s32 $0xFFFFD000  }
0x6e: {  	_ =	swait.ge [sflag:s23], $0x3000  }
0x6f: {  	[sflag:s23] =	ssyncset.done $0x0  }
0x70: {  	[sflag:s23] =	ssyncadd.s32 $0xFFFFD000  }
0x71: {  	_ =	swait.ge [sflag:s23], $0x3000  }
0x72: {  	[sflag:s23] =	ssyncset.done $0x0  }
0x73: {  	[sflag:s23] =	ssyncadd.s32 $0xFFFFD000  }
0x74: {  	_ =	swait.ge [sflag:s23], $0x3000  }
.Ltmp1:
0x75: {  	[sflag:s23] =	ssyncset.done $0x0;
	(pc) =	sbr.rel @p0 .LBB2_1-.Ltmp1, $4  }
0x76: {  	[sflag:s23] =	ssyncadd.s32 $0xFFFFD000  }
0x77: {  	[hbm4b:s24+s3] =	stream.linear.scatter [tilespmem:s17], [sflag:$0x2], $0x12000, $0x38;
	[tilespmem:$0x12300] =	vst v63  }
0x78: {  	_ =	swait.ge [sflag:s4], $0x12000  }
0x79: {  	[sflag:s4] =	ssyncset.done $0x0  }
.LBB2_2:
0x7a: {  	[sflag:s4] =	ssyncadd.s32 $0xFFFEE000  }
0x7b: {  	_ =	sfence.sel $0x180000  }
0x7c: {  	[bflag:$0x0] =	sbarrier.arrive $0xFFFF  }
0x7d: {  	p0 =	sne.s32 s0, $0x0;
	_ =	strace $0x90000047  }
0x7e: {  	s0 =	sadd.s32 @!p0 $0x100000, s1;
	[bflag:$0x2] =	sbarrier.arrive $0xFFFF  }
0x7f: {  	[sflag:s0] =	ssyncadd.tile.s32 @!p0 $0x1;
	_ =	shalt  }
.Lfunc_end2:
_tile_overlayer_lowered:
.L_overlay_start_2:
0x80: {  	(tag) =	ssettag $0x2  }
0x81: {  	s0 =	rddreg [dreg:$0x0];
	s2 =	stileid.u32  }
0x82: {  	s1 =	rddreg [dreg:$0x1];
	p0 =	sne.s32 s2, $0x0  }
0x83: {  	s3 =	rddreg [dreg:$0x2];
	[bflag:$0x3] =	sbarrier.arrive $0xFFFF;
	s2 =	simm.s32 @!p0 $0x1C02  }
0x84: {  	[timem:s3], [sflag:s2] =	dma.local @!p0 [hbm:s0], s1  }
0x85: {  	s0 =	simm.s32 @!p0 $0x2  }
0x86: {  	_ =	swait.ge @!p0 [sflag:s0], s1  }
0x87: {  	s1 =	ssub.s32 @!p0 $0x0, s1;
	[sflag:s0] =	ssyncset.done @!p0 $0x0  }
0x88: {  	[sflag:s0] =	ssyncadd.s32 @!p0 s1  }
0x89: {  	[bflag:$0x3] =	sbarrier.arrive $0xFFFF  }
0x8a: {  	_ =	shalt  }

</sc_bundles>
